<compile_context>
chip_gen: v7x
topology: tpu7x:2x2x1
jax: 0.10.2.dev20260603
libtpu: 0.0.44.dev20260713+nightly
codegen_flags: <defaults>
</compile_context>

<pallas_src>
import functools

import jax
import jax.numpy as jnp
from jax import lax
from jax.experimental import pallas as pl
from jax.experimental.pallas import tpu as pltpu
from jax.experimental.pallas import tpu_sc as plsc

N_NODES = 10000
N_EDGES = 320000
D = 128
DA = 144
NC, NS = 2, 16
NW = NC * NS
C = 128
EPW = 10112
E_PAD = EPW * NW
CHUNKS = EPW // C
N_PAD = 10112
RPT = N_PAD // NS


def _sc_segment_accumulate(x_aug, src_p, dst_p):
  mesh = plsc.VectorSubcoreMesh(core_axis_name="c", subcore_axis_name="s")

  @functools.partial(
      pl.kernel,
      out_type=jax.ShapeDtypeStruct((NC, N_PAD, DA), jnp.float32),
      mesh=mesh,
      compiler_params=pltpu.CompilerParams(use_tc_tiling_on_sc=False),
      scratch_types=[
          pltpu.VMEM((C,), jnp.int32),
          pltpu.VMEM((C,), jnp.int32),
          pltpu.VMEM((C, DA), jnp.float32),
          pltpu.VMEM_SHARED((N_PAD, DA), jnp.float32),
          pltpu.SemaphoreType.DMA,
      ],
  )
  def sc_fn(x_hbm, src_hbm, dst_hbm, out_hbm, src_v, dst_v, rows_v, agg_sh,
            sem):
    cid = lax.axis_index("c")
    sid = lax.axis_index("s")
    wid = sid * NC + cid

    zeros16 = jnp.zeros((16,), jnp.float32)

    def zero_row(i, _):
      for j in range(DA // 16):
        rows_v[i, j * 16:(j + 1) * 16] = zeros16
      return 0

    lax.fori_loop(0, C, zero_row, 0)
    tr0 = sid * RPT
    for k in range(RPT // C):
      pltpu.sync_copy(rows_v, agg_sh.at[pl.ds(tr0 + k * C, C)])
    rem = RPT % C
    if rem:
      pltpu.sync_copy(rows_v.at[pl.ds(0, rem)],
                      agg_sh.at[pl.ds(tr0 + (RPT // C) * C, rem)])
    plsc.subcore_barrier()

    ebase = wid * EPW

    def chunk_body(g, _):
      base = ebase + g * C
      pltpu.sync_copy(src_hbm.at[pl.ds(base, C)], src_v)
      pltpu.sync_copy(dst_hbm.at[pl.ds(base, C)], dst_v)
      pltpu.async_copy(x_hbm.at[src_v], rows_v, sem).wait()
      pltpu.sync_copy(rows_v, agg_sh.at[dst_v], add=True)
      return 0

    lax.fori_loop(0, CHUNKS, chunk_body, 0)
    plsc.subcore_barrier()

    pltpu.sync_copy(agg_sh.at[pl.ds(tr0, RPT)],
                    out_hbm.at[cid].at[pl.ds(tr0, RPT)])

  return sc_fn(x_aug, src_p, dst_p)


def _tc_finish(partials, x, W, b2):
  BR = 400
  grid = (N_NODES // BR,)

  def tc_fn(p_ref, x_ref, w_ref, b_ref, o_ref):
    p = p_ref[...]
    s = p[0] + p[1]
    agg = s[:, :D]
    deg = jnp.maximum(s[:, D:D + 1], 1.0)
    h = jnp.dot(agg / deg + x_ref[...], w_ref[...],
                preferred_element_type=jnp.float32)
    o_ref[...] = jnp.maximum(h + b_ref[...], 0.0)

  return pl.pallas_call(
      tc_fn,
      grid=grid,
      in_specs=[
          pl.BlockSpec((NC, BR, DA), lambda i: (0, i, 0)),
          pl.BlockSpec((BR, D), lambda i: (i, 0)),
          pl.BlockSpec((D, D), lambda i: (0, 0)),
          pl.BlockSpec((1, D), lambda i: (0, 0)),
      ],
      out_specs=pl.BlockSpec((BR, D), lambda i: (i, 0)),
      out_shape=jax.ShapeDtypeStruct((N_NODES, D), jnp.float32),
  )(partials, x, W, b2)


@jax.jit
def kernel(x, edge_index, W, b):
  src = edge_index[0]
  dst = edge_index[1]
  pad = E_PAD - N_EDGES
  src_p = jnp.concatenate([src, jnp.zeros((pad,), jnp.int32)])
  dst_p = jnp.concatenate([dst, jnp.full((pad,), N_NODES, jnp.int32)])
  ones_col = jnp.ones((N_NODES, 1), jnp.float32)
  zpad = jnp.zeros((N_NODES, DA - D - 1), jnp.float32)
  x_aug = jnp.concatenate([x, ones_col, zpad], axis=1)

  partials = _sc_segment_accumulate(x_aug, src_p, dst_p)
  return _tc_finish(partials, x, W, b.reshape(1, D))

# --- scband reference (transcript-rebuilt; emitter-appended) ---
"""Pipeline reference for scband-rank-bern-gl-30657476559622 (READ-ONLY COPY).

The authoritative reference and input builder live on the scoring server;
editing this copy changes nothing except your own understanding.
"""

import jax, jax.numpy as jnp
import numpy as np

N_NODES = 10000
N_EDGES = 320000
D_FEAT = 128


def setup_inputs(seed: int = 0) -> dict:
    key = jax.random.key(seed)
    k1, k2, k3 = jax.random.split(key, 3)
    x = jax.random.normal(k1, (N_NODES, D_FEAT), dtype=jnp.float32)
    edge_index = jax.random.randint(k2, (2, N_EDGES), 0, N_NODES, dtype=jnp.int32)
    W = jax.random.normal(k3, (D_FEAT, D_FEAT), dtype=jnp.float32) * (1.0 / np.sqrt(D_FEAT))
    b = jnp.zeros((D_FEAT,), dtype=jnp.float32)
    return {"x": x, "edge_index": edge_index, "W": W, "b": b}


def reference(x, edge_index, W, b):
    # Eval-mode path of RankBernGL: not self.training and not enable_in_test
    # => gn = g (no Bernoulli edge resampling), h = conv_layer(gn, x, global_bn).
    # conv_layer is a deeper_gcn-style graph convolution: gather source node
    # features along edges, mean-aggregate into destination nodes (scatter-add
    # + degree normalization), combine with a residual/self term, then a dense
    # transform + ReLU.
    src = edge_index[0]
    dst = edge_index[1]
    msgs = jnp.take(x, src, axis=0)                                   # gather  [E, D]
    agg = jax.ops.segment_sum(msgs, dst, num_segments=N_NODES)        # scatter-add [N, D]
    deg = jax.ops.segment_sum(jnp.ones((N_EDGES,), jnp.float32), dst,
                              num_segments=N_NODES)
    agg = agg / jnp.maximum(deg, 1.0)[:, None]
    h = (agg + x) @ W + b
    return jax.nn.relu(h)

if __name__ == "__main__":
    import jax
    _d = setup_inputs()
    print(jax.jit(kernel)(*tuple(_d.values())))

</pallas_src>

<mosaic_0001>
#map = affine_map<(d0, d1) -> (0, 0)>
#map1 = affine_map<(d0, d1) -> (0)>
#map2 = affine_map<(d0, d1) -> (0, 0, 0)>
module attributes {stable_mosaic.version = 14 : i64} {
  func.func @sc_fn(%arg0: i32, %arg1: i32, %arg2: memref<10000x144xf32, #tpu.memory_space<hbm>>, %arg3: memref<323584xi32, #tpu.memory_space<hbm>>, %arg4: memref<323584xi32, #tpu.memory_space<hbm>>, %arg5: memref<2x10112x144xf32, #tpu.memory_space<hbm>>, %arg6: memref<128xi32, #tpu.memory_space<vmem>>, %arg7: memref<128xi32, #tpu.memory_space<vmem>>, %arg8: memref<128x144xf32, #tpu.memory_space<vmem>>, %arg9: memref<10112x144xf32, #tpu.memory_space<vmem_shared>>, %arg10: memref<!tpu.dma_semaphore, #tpu.memory_space<semaphore_mem>>) attributes {dimension_semantics = [#tpu.dimension_semantics<core_parallel>, #tpu.dimension_semantics<subcore_parallel>], iteration_bounds = array<i64: 2, 16>, scalar_prefetch = 0 : i64, scratch_operands = 5 : i64, tpu.core_type = #tpu.core_type<sc_vector_subcore>, window_params = [{transform_indices = #map}, {transform_indices = #map1}, {transform_indices = #map1}, {transform_indices = #map2}]} {
    %mul3A = arith.constant 2 : i32
    %mul3A_0 = arith.muli %arg1, %mul3A : i32
    %add3A = arith.addi %mul3A_0, %arg0 : i32
    %broadcast_in_dim3A = arith.constant 0.000000e+00 : f32
    %broadcast_in_dim3A_1 = vector.broadcast %broadcast_in_dim3A : f32 to vector<16xf32>
    %scan3A = arith.constant 0 : i32
    %scan3A_2 = arith.constant 0 : i32
    %scan3A_3 = arith.constant 128 : i32
    %scan3A_4 = arith.addi %scan3A_2, %scan3A_3 : i32
    %scan3A_5 = arith.constant 1 : i32
    %scan3A_6 = scf.for %scan3A_30 = %scan3A_2 to %scan3A_4 step %scan3A_5 iter_args(%scan3A_31 = %scan3A) -> (i32)  : i32 {
      %swap3A = arith.index_cast %scan3A_30 : i32 to index
      %swap3A_32 = arith.constant 0 : index
      %swap3A_33 = tpu.vector_load %arg8[%swap3A, %swap3A_32] {strides = array<i32>} : memref<128x144xf32, #tpu.memory_space<vmem>>, vector<1x16xf32>,
      %swap3A_34 = vector.shape_cast %swap3A_33 : vector<1x16xf32> to vector<16xf32>
      %swap3A_35 = vector.shape_cast %broadcast_in_dim3A_1 : vector<16xf32> to vector<1x16xf32>
      tpu.vector_store %arg8[%swap3A, %swap3A_32], %swap3A_35 {strides = array<i32>} : memref<128x144xf32, #tpu.memory_space<vmem>>, vector<1x16xf32>,
      %swap3A_36 = arith.index_cast %scan3A_30 : i32 to index
      %swap3A_37 = arith.constant 16 : index
      %swap3A_38 = tpu.vector_load %arg8[%swap3A_36, %swap3A_37] {strides = array<i32>} : memref<128x144xf32, #tpu.memory_space<vmem>>, vector<1x16xf32>,
      %swap3A_39 = vector.shape_cast %swap3A_38 : vector<1x16xf32> to vector<16xf32>
      %swap3A_40 = vector.shape_cast %broadcast_in_dim3A_1 : vector<16xf32> to vector<1x16xf32>
      tpu.vector_store %arg8[%swap3A_36, %swap3A_37], %swap3A_40 {strides = array<i32>} : memref<128x144xf32, #tpu.memory_space<vmem>>, vector<1x16xf32>,
      %swap3A_41 = arith.index_cast %scan3A_30 : i32 to index
      %swap3A_42 = arith.constant 32 : index
      %swap3A_43 = tpu.vector_load %arg8[%swap3A_41, %swap3A_42] {strides = array<i32>} : memref<128x144xf32, #tpu.memory_space<vmem>>, vector<1x16xf32>,
      %swap3A_44 = vector.shape_cast %swap3A_43 : vector<1x16xf32> to vector<16xf32>
      %swap3A_45 = vector.shape_cast %broadcast_in_dim3A_1 : vector<16xf32> to vector<1x16xf32>
      tpu.vector_store %arg8[%swap3A_41, %swap3A_42], %swap3A_45 {strides = array<i32>} : memref<128x144xf32, #tpu.memory_space<vmem>>, vector<1x16xf32>,
      %swap3A_46 = arith.index_cast %scan3A_30 : i32 to index
      %swap3A_47 = arith.constant 48 : index
      %swap3A_48 = tpu.vector_load %arg8[%swap3A_46, %swap3A_47] {strides = array<i32>} : memref<128x144xf32, #tpu.memory_space<vmem>>, vector<1x16xf32>,
      %swap3A_49 = vector.shape_cast %swap3A_48 : vector<1x16xf32> to vector<16xf32>
      %swap3A_50 = vector.shape_cast %broadcast_in_dim3A_1 : vector<16xf32> to vector<1x16xf32>
      tpu.vector_store %arg8[%swap3A_46, %swap3A_47], %swap3A_50 {strides = array<i32>} : memref<128x144xf32, #tpu.memory_space<vmem>>, vector<1x16xf32>,
      %swap3A_51 = arith.index_cast %scan3A_30 : i32 to index
      %swap3A_52 = arith.constant 64 : index
      %swap3A_53 = tpu.vector_load %arg8[%swap3A_51, %swap3A_52] {strides = array<i32>} : memref<128x144xf32, #tpu.memory_space<vmem>>, vector<1x16xf32>,
      %swap3A_54 = vector.shape_cast %swap3A_53 : vector<1x16xf32> to vector<16xf32>
      %swap3A_55 = vector.shape_cast %broadcast_in_dim3A_1 : vector<16xf32> to vector<1x16xf32>
      tpu.vector_store %arg8[%swap3A_51, %swap3A_52], %swap3A_55 {strides = array<i32>} : memref<128x144xf32, #tpu.memory_space<vmem>>, vector<1x16xf32>,
      %swap3A_56 = arith.index_cast %scan3A_30 : i32 to index
      %swap3A_57 = arith.constant 80 : index
      %swap3A_58 = tpu.vector_load %arg8[%swap3A_56, %swap3A_57] {strides = array<i32>} : memref<128x144xf32, #tpu.memory_space<vmem>>, vector<1x16xf32>,
      %swap3A_59 = vector.shape_cast %swap3A_58 : vector<1x16xf32> to vector<16xf32>
      %swap3A_60 = vector.shape_cast %broadcast_in_dim3A_1 : vector<16xf32> to vector<1x16xf32>
      tpu.vector_store %arg8[%swap3A_56, %swap3A_57], %swap3A_60 {strides = array<i32>} : memref<128x144xf32, #tpu.memory_space<vmem>>, vector<1x16xf32>,
      %swap3A_61 = arith.index_cast %scan3A_30 : i32 to index
      %swap3A_62 = arith.constant 96 : index
      %swap3A_63 = tpu.vector_load %arg8[%swap3A_61, %swap3A_62] {strides = array<i32>} : memref<128x144xf32, #tpu.memory_space<vmem>>, vector<1x16xf32>,
      %swap3A_64 = vector.shape_cast %swap3A_63 : vector<1x16xf32> to vector<16xf32>
      %swap3A_65 = vector.shape_cast %broadcast_in_dim3A_1 : vector<16xf32> to vector<1x16xf32>
      tpu.vector_store %arg8[%swap3A_61, %swap3A_62], %swap3A_65 {strides = array<i32>} : memref<128x144xf32, #tpu.memory_space<vmem>>, vector<1x16xf32>,
      %swap3A_66 = arith.index_cast %scan3A_30 : i32 to index
      %swap3A_67 = arith.constant 112 : index
      %swap3A_68 = tpu.vector_load %arg8[%swap3A_66, %swap3A_67] {strides = array<i32>} : memref<128x144xf32, #tpu.memory_space<vmem>>, vector<1x16xf32>,
      %swap3A_69 = vector.shape_cast %swap3A_68 : vector<1x16xf32> to vector<16xf32>
      %swap3A_70 = vector.shape_cast %broadcast_in_dim3A_1 : vector<16xf32> to vector<1x16xf32>
      tpu.vector_store %arg8[%swap3A_66, %swap3A_67], %swap3A_70 {strides = array<i32>} : memref<128x144xf32, #tpu.memory_space<vmem>>, vector<1x16xf32>,
      %swap3A_71 = arith.index_cast %scan3A_30 : i32 to index
      %swap3A_72 = arith.constant 128 : index
      %swap3A_73 = tpu.vector_load %arg8[%swap3A_71, %swap3A_72] {strides = array<i32>} : memref<128x144xf32, #tpu.memory_space<vmem>>, vector<1x16xf32>,
      %swap3A_74 = vector.shape_cast %swap3A_73 : vector<1x16xf32> to vector<16xf32>
      %swap3A_75 = vector.shape_cast %broadcast_in_dim3A_1 : vector<16xf32> to vector<1x16xf32>
      tpu.vector_store %arg8[%swap3A_71, %swap3A_72], %swap3A_75 {strides = array<i32>} : memref<128x144xf32, #tpu.memory_space<vmem>>, vector<1x16xf32>,
      %scan3A_76 = arith.constant 0 : i32
      scf.yield %scan3A_76 : i32
    }
    %scan3A_7 = arith.constant 128 : i32
    %mul3A_8 = arith.constant 632 : i32
    %mul3A_9 = arith.muli %arg1, %mul3A_8 : i32
    %add3A_10 = arith.constant 0 : i32
    %add3A_11 = arith.addi %mul3A_9, %add3A_10 : i32
    "tpu.region"() ({
      %run_scoped3A = tpu.sem_alloc : memref<!tpu.dma_semaphore, #tpu.memory_space<semaphore_mem>>
      %dma_start3A = arith.constant 0 : i32
      %dma_start3A_30 = tpu.memref_slice %arg9[%add3A_11, %dma_start3A] : memref<10112x144xf32, #tpu.memory_space<vmem_shared>> -> memref<128x144xf32, #tpu.memory_space<vmem_shared>>
      %dma_start3A_31 = arith.constant 0 : i32
      %dma_start3A_32 = tpu.memref_slice %arg9[%add3A_11, %dma_start3A_31] : memref<10112x144xf32, #tpu.memory_space<vmem_shared>> -> memref<128x144xf32, #tpu.memory_space<vmem_shared>>
      tpu.enqueue_dma source(%arg8 : memref<128x144xf32, #tpu.memory_space<vmem>>) target(%dma_start3A_32 : memref<128x144xf32, #tpu.memory_space<vmem_shared>>) target_semaphore(%run_scoped3A : memref<!tpu.dma_semaphore, #tpu.memory_space<semaphore_mem>>)
      %dma_wait3A = arith.constant 0 : i32
      %dma_wait3A_33 = tpu.memref_slice %arg9[%add3A_11, %dma_wait3A] : memref<10112x144xf32, #tpu.memory_space<vmem_shared>> -> memref<128x144xf32, #tpu.memory_space<vmem_shared>>
      %dma_wait3A_34 = arith.constant 0 : i32
      %dma_wait3A_35 = tpu.memref_slice %arg9[%add3A_11, %dma_wait3A_34] : memref<10112x144xf32, #tpu.memory_space<vmem_shared>> -> memref<128x144xf32, #tpu.memory_space<vmem_shared>>
      tpu.wait_dma2 semaphore(%run_scoped3A : memref<!tpu.dma_semaphore, #tpu.memory_space<semaphore_mem>>) src(%arg8 : memref<128x144xf32, #tpu.memory_space<vmem>>) dst(%dma_wait3A_35 : memref<128x144xf32, #tpu.memory_space<vmem_shared>>)
      tpu.yield
    }) : () -> ()
    %add3A_12 = arith.constant 128 : i32
    %add3A_13 = arith.addi %mul3A_9, %add3A_12 : i32
    "tpu.region"() ({
      %run_scoped3A = tpu.sem_alloc : memref<!tpu.dma_semaphore, #tpu.memory_space<semaphore_mem>>
      %dma_start3A = arith.constant 0 : i32
      %dma_start3A_30 = tpu.memref_slice %arg9[%add3A_13, %dma_start3A] : memref<10112x144xf32, #tpu.memory_space<vmem_shared>> -> memref<128x144xf32, #tpu.memory_space<vmem_shared>>
      %dma_start3A_31 = arith.constant 0 : i32
      %dma_start3A_32 = tpu.memref_slice %arg9[%add3A_13, %dma_start3A_31] : memref<10112x144xf32, #tpu.memory_space<vmem_shared>> -> memref<128x144xf32, #tpu.memory_space<vmem_shared>>
      tpu.enqueue_dma source(%arg8 : memref<128x144xf32, #tpu.memory_space<vmem>>) target(%dma_start3A_32 : memref<128x144xf32, #tpu.memory_space<vmem_shared>>) target_semaphore(%run_scoped3A : memref<!tpu.dma_semaphore, #tpu.memory_space<semaphore_mem>>)
      %dma_wait3A = arith.constant 0 : i32
      %dma_wait3A_33 = tpu.memref_slice %arg9[%add3A_13, %dma_wait3A] : memref<10112x144xf32, #tpu.memory_space<vmem_shared>> -> memref<128x144xf32, #tpu.memory_space<vmem_shared>>
      %dma_wait3A_34 = arith.constant 0 : i32
      %dma_wait3A_35 = tpu.memref_slice %arg9[%add3A_13, %dma_wait3A_34] : memref<10112x144xf32, #tpu.memory_space<vmem_shared>> -> memref<128x144xf32, #tpu.memory_space<vmem_shared>>
      tpu.wait_dma2 semaphore(%run_scoped3A : memref<!tpu.dma_semaphore, #tpu.memory_space<semaphore_mem>>) src(%arg8 : memref<128x144xf32, #tpu.memory_space<vmem>>) dst(%dma_wait3A_35 : memref<128x144xf32, #tpu.memory_space<vmem_shared>>)
      tpu.yield
    }) : () -> ()
    %add3A_14 = arith.constant 256 : i32
    %add3A_15 = arith.addi %mul3A_9, %add3A_14 : i32
    "tpu.region"() ({
      %run_scoped3A = tpu.sem_alloc : memref<!tpu.dma_semaphore, #tpu.memory_space<semaphore_mem>>
      %dma_start3A = arith.constant 0 : i32
      %dma_start3A_30 = tpu.memref_slice %arg9[%add3A_15, %dma_start3A] : memref<10112x144xf32, #tpu.memory_space<vmem_shared>> -> memref<128x144xf32, #tpu.memory_space<vmem_shared>>
      %dma_start3A_31 = arith.constant 0 : i32
      %dma_start3A_32 = tpu.memref_slice %arg9[%add3A_15, %dma_start3A_31] : memref<10112x144xf32, #tpu.memory_space<vmem_shared>> -> memref<128x144xf32, #tpu.memory_space<vmem_shared>>
      tpu.enqueue_dma source(%arg8 : memref<128x144xf32, #tpu.memory_space<vmem>>) target(%dma_start3A_32 : memref<128x144xf32, #tpu.memory_space<vmem_shared>>) target_semaphore(%run_scoped3A : memref<!tpu.dma_semaphore, #tpu.memory_space<semaphore_mem>>)
      %dma_wait3A = arith.constant 0 : i32
      %dma_wait3A_33 = tpu.memref_slice %arg9[%add3A_15, %dma_wait3A] : memref<10112x144xf32, #tpu.memory_space<vmem_shared>> -> memref<128x144xf32, #tpu.memory_space<vmem_shared>>
      %dma_wait3A_34 = arith.constant 0 : i32
      %dma_wait3A_35 = tpu.memref_slice %arg9[%add3A_15, %dma_wait3A_34] : memref<10112x144xf32, #tpu.memory_space<vmem_shared>> -> memref<128x144xf32, #tpu.memory_space<vmem_shared>>
      tpu.wait_dma2 semaphore(%run_scoped3A : memref<!tpu.dma_semaphore, #tpu.memory_space<semaphore_mem>>) src(%arg8 : memref<128x144xf32, #tpu.memory_space<vmem>>) dst(%dma_wait3A_35 : memref<128x144xf32, #tpu.memory_space<vmem_shared>>)
      tpu.yield
    }) : () -> ()
    %add3A_16 = arith.constant 384 : i32
    %add3A_17 = arith.addi %mul3A_9, %add3A_16 : i32
    "tpu.region"() ({
      %run_scoped3A = tpu.sem_alloc : memref<!tpu.dma_semaphore, #tpu.memory_space<semaphore_mem>>
      %dma_start3A = arith.constant 0 : i32
      %dma_start3A_30 = tpu.memref_slice %arg9[%add3A_17, %dma_start3A] : memref<10112x144xf32, #tpu.memory_space<vmem_shared>> -> memref<128x144xf32, #tpu.memory_space<vmem_shared>>
      %dma_start3A_31 = arith.constant 0 : i32
      %dma_start3A_32 = tpu.memref_slice %arg9[%add3A_17, %dma_start3A_31] : memref<10112x144xf32, #tpu.memory_space<vmem_shared>> -> memref<128x144xf32, #tpu.memory_space<vmem_shared>>
      tpu.enqueue_dma source(%arg8 : memref<128x144xf32, #tpu.memory_space<vmem>>) target(%dma_start3A_32 : memref<128x144xf32, #tpu.memory_space<vmem_shared>>) target_semaphore(%run_scoped3A : memref<!tpu.dma_semaphore, #tpu.memory_space<semaphore_mem>>)
      %dma_wait3A = arith.constant 0 : i32
      %dma_wait3A_33 = tpu.memref_slice %arg9[%add3A_17, %dma_wait3A] : memref<10112x144xf32, #tpu.memory_space<vmem_shared>> -> memref<128x144xf32, #tpu.memory_space<vmem_shared>>
      %dma_wait3A_34 = arith.constant 0 : i32
      %dma_wait3A_35 = tpu.memref_slice %arg9[%add3A_17, %dma_wait3A_34] : memref<10112x144xf32, #tpu.memory_space<vmem_shared>> -> memref<128x144xf32, #tpu.memory_space<vmem_shared>>
      tpu.wait_dma2 semaphore(%run_scoped3A : memref<!tpu.dma_semaphore, #tpu.memory_space<semaphore_mem>>) src(%arg8 : memref<128x144xf32, #tpu.memory_space<vmem>>) dst(%dma_wait3A_35 : memref<128x144xf32, #tpu.memory_space<vmem_shared>>)
      tpu.yield
    }) : () -> ()
    %add3A_18 = arith.constant 512 : i32
    %add3A_19 = arith.addi %mul3A_9, %add3A_18 : i32
    "tpu.region"() ({
      %run_scoped3A = tpu.sem_alloc : memref<!tpu.dma_semaphore, #tpu.memory_space<semaphore_mem>>
      %dma_start3A = arith.constant 0 : i32
      %dma_start3A_30 = arith.constant 0 : i32
      %dma_start3A_31 = tpu.memref_slice %arg8[%dma_start3A, %dma_start3A_30] : memref<128x144xf32, #tpu.memory_space<vmem>> -> memref<120x144xf32, #tpu.memory_space<vmem>>
      %dma_start3A_32 = arith.constant 0 : i32
      %dma_start3A_33 = tpu.memref_slice %arg9[%add3A_19, %dma_start3A_32] : memref<10112x144xf32, #tpu.memory_space<vmem_shared>> -> memref<120x144xf32, #tpu.memory_space<vmem_shared>>
      %dma_start3A_34 = arith.constant 0 : i32
      %dma_start3A_35 = tpu.memref_slice %arg9[%add3A_19, %dma_start3A_34] : memref<10112x144xf32, #tpu.memory_space<vmem_shared>> -> memref<120x144xf32, #tpu.memory_space<vmem_shared>>
      %dma_start3A_36 = arith.constant 0 : i32
      %dma_start3A_37 = arith.constant 0 : i32
      %dma_start3A_38 = tpu.memref_slice %arg8[%dma_start3A_36, %dma_start3A_37] : memref<128x144xf32, #tpu.memory_space<vmem>> -> memref<120x144xf32, #tpu.memory_space<vmem>>
      tpu.enqueue_dma source(%dma_start3A_38 : memref<120x144xf32, #tpu.memory_space<vmem>>) target(%dma_start3A_35 : memref<120x144xf32, #tpu.memory_space<vmem_shared>>) target_semaphore(%run_scoped3A : memref<!tpu.dma_semaphore, #tpu.memory_space<semaphore_mem>>)
      %dma_wait3A = arith.constant 0 : i32
      %dma_wait3A_39 = arith.constant 0 : i32
      %dma_wait3A_40 = tpu.memref_slice %arg8[%dma_wait3A, %dma_wait3A_39] : memref<128x144xf32, #tpu.memory_space<vmem>> -> memref<120x144xf32, #tpu.memory_space<vmem>>
      %dma_wait3A_41 = arith.constant 0 : i32
      %dma_wait3A_42 = tpu.memref_slice %arg9[%add3A_19, %dma_wait3A_41] : memref<10112x144xf32, #tpu.memory_space<vmem_shared>> -> memref<120x144xf32, #tpu.memory_space<vmem_shared>>
      %dma_wait3A_43 = arith.constant 0 : i32
      %dma_wait3A_44 = tpu.memref_slice %arg9[%add3A_19, %dma_wait3A_43] : memref<10112x144xf32, #tpu.memory_space<vmem_shared>> -> memref<120x144xf32, #tpu.memory_space<vmem_shared>>
      %dma_wait3A_45 = arith.constant 0 : i32
      %dma_wait3A_46 = arith.constant 0 : i32
      %dma_wait3A_47 = tpu.memref_slice %arg8[%dma_wait3A_45, %dma_wait3A_46] : memref<128x144xf32, #tpu.memory_space<vmem>> -> memref<120x144xf32, #tpu.memory_space<vmem>>
      tpu.wait_dma2 semaphore(%run_scoped3A : memref<!tpu.dma_semaphore, #tpu.memory_space<semaphore_mem>>) src(%dma_wait3A_47 : memref<120x144xf32, #tpu.memory_space<vmem>>) dst(%dma_wait3A_44 : memref<120x144xf32, #tpu.memory_space<vmem_shared>>)
      tpu.yield
    }) : () -> ()
    %barrier3A = arith.constant 0 : index
    tpu.barrier barrier_id(%barrier3A)
    %mul3A_20 = arith.constant 10112 : i32
    %mul3A_21 = arith.muli %add3A, %mul3A_20 : i32
    %scan3A_22 = arith.constant 0 : i32
    %scan3A_23 = arith.constant 0 : i32
    %scan3A_24 = arith.constant 79 : i32
    %scan3A_25 = arith.addi %scan3A_23, %scan3A_24 : i32
    %scan3A_26 = arith.constant 1 : i32
    %scan3A_27 = scf.for %scan3A_30 = %scan3A_23 to %scan3A_25 step %scan3A_26 iter_args(%scan3A_31 = %scan3A_22) -> (i32)  : i32 {
      %mul3A_32 = arith.constant 128 : i32
      %mul3A_33 = arith.muli %scan3A_30, %mul3A_32 : i32
      %add3A_34 = arith.addi %mul3A_21, %mul3A_33 : i32
      "tpu.region"() ({
        %run_scoped3A = tpu.sem_alloc : memref<!tpu.dma_semaphore, #tpu.memory_space<semaphore_mem>>
        %dma_start3A_40 = tpu.memref_slice %arg3[%add3A_34] : memref<323584xi32, #tpu.memory_space<hbm>> -> memref<128xi32, #tpu.memory_space<hbm>>
        %dma_start3A_41 = tpu.memref_slice %arg3[%add3A_34] : memref<323584xi32, #tpu.memory_space<hbm>> -> memref<128xi32, #tpu.memory_space<hbm>>
        tpu.enqueue_dma source(%dma_start3A_41 : memref<128xi32, #tpu.memory_space<hbm>>) target(%arg6 : memref<128xi32, #tpu.memory_space<vmem>>) target_semaphore(%run_scoped3A : memref<!tpu.dma_semaphore, #tpu.memory_space<semaphore_mem>>)
        %dma_wait3A_42 = tpu.memref_slice %arg3[%add3A_34] : memref<323584xi32, #tpu.memory_space<hbm>> -> memref<128xi32, #tpu.memory_space<hbm>>
        %dma_wait3A_43 = tpu.memref_slice %arg3[%add3A_34] : memref<323584xi32, #tpu.memory_space<hbm>> -> memref<128xi32, #tpu.memory_space<hbm>>
        tpu.wait_dma2 semaphore(%run_scoped3A : memref<!tpu.dma_semaphore, #tpu.memory_space<semaphore_mem>>) src(%dma_wait3A_43 : memref<128xi32, #tpu.memory_space<hbm>>) dst(%arg6 : memref<128xi32, #tpu.memory_space<vmem>>)
        tpu.yield
      }) : () -> ()
      "tpu.region"() ({
        %run_scoped3A = tpu.sem_alloc : memref<!tpu.dma_semaphore, #tpu.memory_space<semaphore_mem>>
        %dma_start3A_40 = tpu.memref_slice %arg4[%add3A_34] : memref<323584xi32, #tpu.memory_space<hbm>> -> memref<128xi32, #tpu.memory_space<hbm>>
        %dma_start3A_41 = tpu.memref_slice %arg4[%add3A_34] : memref<323584xi32, #tpu.memory_space<hbm>> -> memref<128xi32, #tpu.memory_space<hbm>>
        tpu.enqueue_dma source(%dma_start3A_41 : memref<128xi32, #tpu.memory_space<hbm>>) target(%arg7 : memref<128xi32, #tpu.memory_space<vmem>>) target_semaphore(%run_scoped3A : memref<!tpu.dma_semaphore, #tpu.memory_space<semaphore_mem>>)
        %dma_wait3A_42 = tpu.memref_slice %arg4[%add3A_34] : memref<323584xi32, #tpu.memory_space<hbm>> -> memref<128xi32, #tpu.memory_space<hbm>>
        %dma_wait3A_43 = tpu.memref_slice %arg4[%add3A_34] : memref<323584xi32, #tpu.memory_space<hbm>> -> memref<128xi32, #tpu.memory_space<hbm>>
        tpu.wait_dma2 semaphore(%run_scoped3A : memref<!tpu.dma_semaphore, #tpu.memory_space<semaphore_mem>>) src(%dma_wait3A_43 : memref<128xi32, #tpu.memory_space<hbm>>) dst(%arg7 : memref<128xi32, #tpu.memory_space<vmem>>)
        tpu.yield
      }) : () -> ()
      %dma_start3A = arith.constant 0 : i32
      %dma_start3A_35 = arith.constant 0 : i32
      %dma_start3A_36 = tpu.memref_slice %arg2[%dma_start3A, %dma_start3A_35] : memref<10000x144xf32, #tpu.memory_space<hbm>> -> memref<10000x144xf32, #tpu.memory_space<hbm>>
      tpu.enqueue_indirect_dma source(%dma_start3A_36 : memref<10000x144xf32, #tpu.memory_space<hbm>>) target(%arg8 : memref<128x144xf32, #tpu.memory_space<vmem>>) offsets(%arg6 : memref<128xi32, #tpu.memory_space<vmem>>) semaphore(%arg10 : memref<!tpu.dma_semaphore, #tpu.memory_space<semaphore_mem>>)
      %dma_wait3A = arith.constant 0 : i32
      %dma_wait3A_37 = arith.constant 0 : i32
      %dma_wait3A_38 = tpu.memref_slice %arg2[%dma_wait3A, %dma_wait3A_37] : memref<10000x144xf32, #tpu.memory_space<hbm>> -> memref<10000x144xf32, #tpu.memory_space<hbm>>
      tpu.wait_indirect_dma semaphore(%arg10 : memref<!tpu.dma_semaphore, #tpu.memory_space<semaphore_mem>>) src(%dma_wait3A_38 : memref<10000x144xf32, #tpu.memory_space<hbm>>) dst(%arg8 : memref<128x144xf32, #tpu.memory_space<vmem>>)
      "tpu.region"() ({
        %run_scoped3A = tpu.sem_alloc : memref<!tpu.dma_semaphore, #tpu.memory_space<semaphore_mem>>
        %dma_start3A_40 = arith.constant 0 : i32
        %dma_start3A_41 = arith.constant 0 : i32
        %dma_start3A_42 = tpu.memref_slice %arg9[%dma_start3A_40, %dma_start3A_41] : memref<10112x144xf32, #tpu.memory_space<vmem_shared>> -> memref<10112x144xf32, #tpu.memory_space<vmem_shared>>
        tpu.enqueue_indirect_dma source(%arg8 : memref<128x144xf32, #tpu.memory_space<vmem>>) target(%dma_start3A_42 : memref<10112x144xf32, #tpu.memory_space<vmem_shared>>) offsets(%arg7 : memref<128xi32, #tpu.memory_space<vmem>>) semaphore(%run_scoped3A : memref<!tpu.dma_semaphore, #tpu.memory_space<semaphore_mem>>) {add = true}
        %dma_wait3A_43 = arith.constant 0 : i32
        %dma_wait3A_44 = arith.constant 0 : i32
        %dma_wait3A_45 = tpu.memref_slice %arg9[%dma_wait3A_43, %dma_wait3A_44] : memref<10112x144xf32, #tpu.memory_space<vmem_shared>> -> memref<10112x144xf32, #tpu.memory_space<vmem_shared>>
        tpu.wait_indirect_dma semaphore(%run_scoped3A : memref<!tpu.dma_semaphore, #tpu.memory_space<semaphore_mem>>) src(%arg8 : memref<128x144xf32, #tpu.memory_space<vmem>>) dst(%dma_wait3A_45 : memref<10112x144xf32, #tpu.memory_space<vmem_shared>>)
        tpu.yield
      }) : () -> ()
      %scan3A_39 = arith.constant 0 : i32
      scf.yield %scan3A_39 : i32
    }
    %scan3A_28 = arith.constant 79 : i32
    %barrier3A_29 = arith.constant 0 : index
    tpu.barrier barrier_id(%barrier3A_29)
    "tpu.region"() ({
      %run_scoped3A = tpu.sem_alloc : memref<!tpu.dma_semaphore, #tpu.memory_space<semaphore_mem>>
      %dma_start3A = arith.constant 0 : i32
      %dma_start3A_30 = arith.constant 0 : i32
      %dma_start3A_31 = tpu.memref_slice %arg5[%arg0, %dma_start3A, %dma_start3A_30] : memref<2x10112x144xf32, #tpu.memory_space<hbm>> -> memref<1x10112x144xf32, #tpu.memory_space<hbm>>
      %dma_start3A_32 = tpu.memref_squeeze %dma_start3A_31 : memref<1x10112x144xf32, #tpu.memory_space<hbm>> -> memref<10112x144xf32, #tpu.memory_space<hbm>>
      %dma_start3A_33 = arith.constant 0 : i32
      %dma_start3A_34 = tpu.memref_slice %dma_start3A_32[%mul3A_9, %dma_start3A_33] : memref<10112x144xf32, #tpu.memory_space<hbm>> -> memref<632x144xf32, #tpu.memory_space<hbm>>
      %dma_start3A_35 = arith.constant 0 : i32
      %dma_start3A_36 = tpu.memref_slice %arg9[%mul3A_9, %dma_start3A_35] : memref<10112x144xf32, #tpu.memory_space<vmem_shared>> -> memref<632x144xf32, #tpu.memory_space<vmem_shared>>
      tpu.enqueue_dma source(%dma_start3A_36 : memref<632x144xf32, #tpu.memory_space<vmem_shared>>) target(%dma_start3A_34 : memref<632x144xf32, #tpu.memory_space<hbm>>) target_semaphore(%run_scoped3A : memref<!tpu.dma_semaphore, #tpu.memory_space<semaphore_mem>>)
      %dma_wait3A = arith.constant 0 : i32
      %dma_wait3A_37 = arith.constant 0 : i32
      %dma_wait3A_38 = tpu.memref_slice %arg5[%arg0, %dma_wait3A, %dma_wait3A_37] : memref<2x10112x144xf32, #tpu.memory_space<hbm>> -> memref<1x10112x144xf32, #tpu.memory_space<hbm>>
      %dma_wait3A_39 = tpu.memref_squeeze %dma_wait3A_38 : memref<1x10112x144xf32, #tpu.memory_space<hbm>> -> memref<10112x144xf32, #tpu.memory_space<hbm>>
      %dma_wait3A_40 = arith.constant 0 : i32
      %dma_wait3A_41 = tpu.memref_slice %dma_wait3A_39[%mul3A_9, %dma_wait3A_40] : memref<10112x144xf32, #tpu.memory_space<hbm>> -> memref<632x144xf32, #tpu.memory_space<hbm>>
      %dma_wait3A_42 = arith.constant 0 : i32
      %dma_wait3A_43 = tpu.memref_slice %arg9[%mul3A_9, %dma_wait3A_42] : memref<10112x144xf32, #tpu.memory_space<vmem_shared>> -> memref<632x144xf32, #tpu.memory_space<vmem_shared>>
      tpu.wait_dma2 semaphore(%run_scoped3A : memref<!tpu.dma_semaphore, #tpu.memory_space<semaphore_mem>>) src(%dma_wait3A_43 : memref<632x144xf32, #tpu.memory_space<vmem_shared>>) dst(%dma_wait3A_41 : memref<632x144xf32, #tpu.memory_space<hbm>>)
      tpu.yield
    }) : () -> ()
    return
  }
}

module attributes {stable_mosaic.version = 14 : i64} {
  func.func @tc_fn(%arg0: i32, %arg1: memref<2x400x144xf32, #tpu.memory_space<vmem>>, %arg2: memref<400x128xf32, #tpu.memory_space<vmem>>, %arg3: memref<128x128xf32, #tpu.memory_space<vmem>>, %arg4: memref<1x128xf32, #tpu.memory_space<vmem>>, %arg5: memref<400x128xf32, #tpu.memory_space<vmem>>) attributes {dimension_semantics = [#tpu.dimension_semantics<arbitrary>], iteration_bounds = array<i64: 25>, scalar_prefetch = 0 : i64, scratch_operands = 0 : i64, tpu.core_type = #tpu.core_type<tc>, window_params = [{transform_indices = @transform_0, window_bounds = array<i64: 2, 400, 144>}, {transform_indices = @transform_1, window_bounds = array<i64: 400, 128>}, {pipeline_mode = #tpu.pipeline_mode<synchronous>, transform_indices = @transform_2, window_bounds = array<i64: 128, 128>}, {pipeline_mode = #tpu.pipeline_mode<synchronous>, transform_indices = @transform_3, window_bounds = array<i64: 1, 128>}, {transform_indices = @transform_4, window_bounds = array<i64: 400, 128>}]} {
    %get3A = arith.constant 0 : index
    %get3A_0 = arith.constant 0 : index
    %get3A_1 = arith.constant 0 : index
    %get3A_2 = vector.load %arg1[%get3A, %get3A_0, %get3A_1] : memref<2x400x144xf32, #tpu.memory_space<vmem>>, vector<2x400x144xf32>
    %slice3A = vector.extract_strided_slice %get3A_2 {offsets = [0, 0, 0], sizes = [1, 400, 144], strides = [1, 1, 1]} : vector<2x400x144xf32> to vector<1x400x144xf32>
    %squeeze3A = vector.shape_cast %slice3A : vector<1x400x144xf32> to vector<400x144xf32>
    %slice3A_3 = vector.extract_strided_slice %get3A_2 {offsets = [1, 0, 0], sizes = [1, 400, 144], strides = [1, 1, 1]} : vector<2x400x144xf32> to vector<1x400x144xf32>
    %squeeze3A_4 = vector.shape_cast %slice3A_3 : vector<1x400x144xf32> to vector<400x144xf32>
    %add3A = arith.addf %squeeze3A, %squeeze3A_4 : vector<400x144xf32>
    %slice3A_5 = vector.extract_strided_slice %add3A {offsets = [0, 0], sizes = [400, 128], strides = [1, 1]} : vector<400x144xf32> to vector<400x128xf32>
    %slice3A_6 = vector.extract_strided_slice %add3A {offsets = [0, 128], sizes = [400, 1], strides = [1, 1]} : vector<400x144xf32> to vector<400x1xf32>
    %max3A = arith.constant 1.000000e+00 : f32
    %max3A_7 = vector.broadcast %max3A : f32 to vector<400x1xf32>
    %max3A_8 = arith.maximumf %slice3A_6, %max3A_7 : vector<400x1xf32>
    %div3A = vector.broadcast %max3A_8 : vector<400x1xf32> to vector<400x128xf32>
    %div3A_9 = arith.divf %slice3A_5, %div3A : vector<400x128xf32>
    %get3A_10 = arith.constant 0 : index
    %get3A_11 = arith.constant 0 : index
    %get3A_12 = vector.load %arg2[%get3A_10, %get3A_11] : memref<400x128xf32, #tpu.memory_space<vmem>>, vector<400x128xf32>
    %add3A_13 = arith.addf %div3A_9, %get3A_12 : vector<400x128xf32>
    %get3A_14 = arith.constant 0 : index
    %get3A_15 = arith.constant 0 : index
    %get3A_16 = vector.load %arg3[%get3A_14, %get3A_15] : memref<128x128xf32, #tpu.memory_space<vmem>>, vector<128x128xf32>
    %dot_general3A = arith.constant dense<0.000000e+00> : vector<400x128xf32>
    %dot_general3A_17 = tpu.matmul %add3A_13, %get3A_16, %dot_general3A {dimension_numbers = #tpu.dot_dimension_numbers<[1], [0], [0], [1], [0, 0, 1, 1], [], []>, transpose_lhs_hint = false} : vector<400x128xf32>, vector<128x128xf32>, vector<400x128xf32> -> vector<400x128xf32>
    %get3A_18 = arith.constant 0 : index
    %get3A_19 = arith.constant 0 : index
    %get3A_20 = vector.load %arg4[%get3A_18, %get3A_19] : memref<1x128xf32, #tpu.memory_space<vmem>>, vector<1x128xf32>
    %add3A_21 = vector.broadcast %get3A_20 : vector<1x128xf32> to vector<400x128xf32>
    %add3A_22 = arith.addf %dot_general3A_17, %add3A_21 : vector<400x128xf32>
    %max3A_23 = arith.constant 0.000000e+00 : f32
    %max3A_24 = vector.broadcast %max3A_23 : f32 to vector<400x128xf32>
    %max3A_25 = arith.maximumf %add3A_22, %max3A_24 : vector<400x128xf32>
    %swap3A = arith.constant 0 : index
    %swap3A_26 = arith.constant 0 : index
    %swap3A_27 = vector.load %arg5[%swap3A, %swap3A_26] : memref<400x128xf32, #tpu.memory_space<vmem>>, vector<400x128xf32>
    tpu.vector_store %arg5[%swap3A, %swap3A_26], %max3A_25 {strides = array<i32>} : memref<400x128xf32, #tpu.memory_space<vmem>>, vector<400x128xf32>,
    return
  }
  func.func @transform_0(%arg0: i32) -> (i32, i32, i32) {
    %c0_i32 = arith.constant 0 : i32
    %c0_i32_0 = arith.constant 0 : i32
    %c0_i32_1 = arith.constant 0 : i32
    return %c0_i32, %arg0, %c0_i32_0 : i32, i32, i32
  }
  func.func @transform_1(%arg0: i32) -> (i32, i32) {
    %c0_i32 = arith.constant 0 : i32
    %c0_i32_0 = arith.constant 0 : i32
    return %arg0, %c0_i32 : i32, i32
  }
  func.func @transform_2(%arg0: i32) -> (i32, i32) {
    %c0_i32 = arith.constant 0 : i32
    %c0_i32_0 = arith.constant 0 : i32
    %c0_i32_1 = arith.constant 0 : i32
    return %c0_i32, %c0_i32_0 : i32, i32
  }
  func.func @transform_3(%arg0: i32) -> (i32, i32) {
    %c0_i32 = arith.constant 0 : i32
    %c0_i32_0 = arith.constant 0 : i32
    %c0_i32_1 = arith.constant 0 : i32
    return %c0_i32, %c0_i32_0 : i32, i32
  }
  func.func @transform_4(%arg0: i32) -> (i32, i32) {
    %c0_i32 = arith.constant 0 : i32
    %c0_i32_0 = arith.constant 0 : i32
    return %arg0, %c0_i32 : i32, i32
  }
}

</mosaic_0001>

<sc_bundles>
// kernel: kernel.4.cloned.1.call-start
scs
__scs_entry_jumppad:
0x0: {  	(pc) =	sbr.rel $0x88, $3  }
0x1: {  	(tag) =	ssettag $0x0;
	lr =	simm.s32 $0x1  }
0x2: {  	[smem:$0x3F9D] =	sst lr;
	_ =	strace $0xD0000000  }
0x3: {  	_ = 	snop  }
0x4: {  	_ = 	snop  }
0x5: {  	_ = 	snop  }
0x6: {  	_ = 	snop  }
0x7: {  	_ = 	snop  }
__scs_overlays_trampoline_lowered:
0x8: {  	[smem:$0x3FAC] =	sst s0  }
0x9: {  	[smem:$0x3FAD] =	sst s1  }
0xa: {  	[smem:$0x3FAE] =	sst s2  }
0xb: {  	[smem:$0x3FAF] =	sst s3  }
0xc: {  	[smem:$0x3FB0] =	sst s4  }
0xd: {  	[smem:$0x3FB1] =	sst s5  }
0xe: {  	[smem:$0x3FB2] =	sst s6  }
0xf: {  	[smem:$0x3FB3] =	sst s7  }
0x10: {  	[smem:$0x3FB4] =	sst s8  }
0x11: {  	[smem:$0x3FB5] =	sst s9;
	s0 =	simm.s32 @!p0 $0x0  }
0x12: {  	s1 =	sld [smem:$0x3F9B];
	s0 =	simm.s32 @p0 $0x1  }
0x13: {  	[smem:$0x3FB6] =	sst s0;
	s0 =	simm.s32 @!p1 $0x0  }
0x14: {  	s2 =	sld [smem:$0x3F9A];
	s0 =	simm.s32 @p1 $0x1  }
0x15: {  	[smem:$0x3FB7] =	sst s0;
	s0 =	simm.s32 @!p2 $0x0  }
0x16: {  	s3 =	sld [smem:$0x3FDB];
	s0 =	simm.s32 @p2 $0x1  }
0x17: {  	s4 =	simm.s32 $0x1BF5;
	[smem:$0x3FB9] =	sst s0  }
0x18: {  	s0 =	sld [smem:$0x3F9C];
	_ =	swait.ge [sflag:s4], $0x0  }
0x19: {  	s7 =	sld [smem:$0x3F9D]  }
0x1a: {  	s8 =	sadd.s32 $0xFFFFE003, lr  }
0x1b: {  	s9 =	sadd.s32 $0xFFFFFEF7, lr;
	s5 =	simm.s32 $0xFFFFFFFF;
	p2 =	slt.u32 s8, $0xFFFFF086  }
0x1c: {  	p1 =	slt.u32 s9, $0xF7A;
	s5 =	simm.s32 @!p2 $0x0  }
0x1d: {  	s5 =	simm.s32 @p1 $0x1;
	p0 =	seq.s32 s7, s2  }
0x1e: {  	s7 =	smul.u32 @!p0 $0xF7A, s2;
	p2 =	seq.s32 @!p0 s5, $0x0  }
0x1f: {  	s9 =	smul.u32 $0xF7A, s1;
	s8 =	simm.s32 @!p0 $0x1BF5;
	p2 =	por !p2, p0  }
0x20: {  	[sflag:s8] =	ssyncset.s32 @!p0 $0xFFFFF086;
	s6 =	sadd.s32 @!p0 s3, s7;
	s7 =	simm.s32 @!p0 $0x108  }
0x21: {  	s3 =	sadd.s32 s3, s9;
	s6 =	sadd.s32 @!p0 $0x88, s6;
	s7 =	simm.s32 @p2 $0x1082  }
0x22: {  	[simem:s7], [sflag:s8] =	dma.local @!p0 [hbm:s6], $0xF7A  }
0x23: {  	s9 =	sor.u32 $0xD0000000, s2;
	s6 =	simm.s32 $0x108;
	_ =	swait.ge @!p0 [sflag:s8], $0x0  }
0x24: {  	s3 =	sadd.s32 $0x88, s3;
	s6 =	simm.s32 @!p1 $0x1082;
	[sflag:s4] =	ssyncset.s32 $0xFFFFF086  }
0x25: {  	[simem:s6], [sflag:s4] =	dma.local [hbm:s3], $0xF7A  }
0x26: {  	[smem:$0x3F9D] =	sst s1;
	(tag) =	ssettag s2;
	_ =	strace s9  }
0x27: {  	s1 =	sld [smem:$0x3FAD]  }
0x28: {  	s2 =	sld [smem:$0x3FAE]  }
0x29: {  	s4 =	sld [smem:$0x3FB0]  }
0x2a: {  	p0 =	seq.s32 s5, $0x0;
	s5 =	sld [smem:$0x3FB1]  }
0x2b: {  	s6 =	sld [smem:$0x3FB2]  }
0x2c: {  	s7 =	sld [smem:$0x3FB3]  }
0x2d: {  	s3 =	simm.s32 $0x108;
	s8 =	sld [smem:$0x3FB4]  }
0x2e: {  	s3 =	simm.s32 @!p0 $0x1082;
	s9 =	sld [smem:$0x3FB5]  }
0x2f: {  	lr =	sadd.s32 s0, s3;
	s0 =	sld [smem:$0x3FAC]  }
0x30: {  	s3 =	sld [smem:$0x3FAF]  }
0x31: {  	[smem:$0x3FB8] =	sst s10  }
0x32: {  	s10 =	sld [smem:$0x3FB6];
	_ =	sdelay $0x3  }
0x33: {  	p0 =	seq.s32 s10, $0x1;
	s10 =	sld [smem:$0x3FB8];
	_ =	sdelay $0x3  }
0x34: {  	[smem:$0x3FB8] =	sst s10  }
0x35: {  	s10 =	sld [smem:$0x3FB7];
	_ =	sdelay $0x3  }
0x36: {  	p1 =	seq.s32 s10, $0x1;
	s10 =	sld [smem:$0x3FB8];
	_ =	sdelay $0x3  }
0x37: {  	[smem:$0x3FB8] =	sst s10  }
0x38: {  	s10 =	sld [smem:$0x3FB9]  }
0x39: {  	_ = 	snop;
	(pc) =	sbr.ind lr, $3  }
0x3a: {  	_ = 	snop  }
0x3b: {  	_ = 	snop  }
0x3c: {  	p2 =	seq.s32 s10, $0x1;
	s10 =	sld [smem:$0x3FB8]  }
0x3d: {  	_ =	shalt  }
0x3e: {  	_ =	shalt  }
0x3f: {  	_ =	shalt  }
0x40: {  	_ =	shalt  }
0x41: {  	_ =	shalt  }
0x42: {  	_ =	shalt  }
0x43: {  	_ =	shalt  }
0x44: {  	_ =	shalt  }
0x45: {  	_ =	shalt  }
0x46: {  	_ =	shalt  }
0x47: {  	_ =	shalt  }
0x48: {  	_ =	shalt  }
0x49: {  	_ =	shalt  }
0x4a: {  	_ =	shalt  }
0x4b: {  	_ =	shalt  }
0x4c: {  	_ =	shalt  }
0x4d: {  	_ =	shalt  }
0x4e: {  	_ =	shalt  }
0x4f: {  	_ =	shalt  }
0x50: {  	_ =	shalt  }
0x51: {  	_ =	shalt  }
0x52: {  	_ =	shalt  }
0x53: {  	_ =	shalt  }
0x54: {  	_ =	shalt  }
0x55: {  	_ =	shalt  }
0x56: {  	_ =	shalt  }
0x57: {  	_ =	shalt  }
0x58: {  	_ =	shalt  }
0x59: {  	_ =	shalt  }
0x5a: {  	_ =	shalt  }
0x5b: {  	_ =	shalt  }
0x5c: {  	_ =	shalt  }
0x5d: {  	_ =	shalt  }
0x5e: {  	_ =	shalt  }
0x5f: {  	_ =	shalt  }
0x60: {  	_ =	shalt  }
0x61: {  	_ =	shalt  }
0x62: {  	_ =	shalt  }
0x63: {  	_ =	shalt  }
0x64: {  	_ =	shalt  }
0x65: {  	_ =	shalt  }
0x66: {  	_ =	shalt  }
0x67: {  	_ =	shalt  }
0x68: {  	_ =	shalt  }
0x69: {  	_ =	shalt  }
0x6a: {  	_ =	shalt  }
0x6b: {  	_ =	shalt  }
0x6c: {  	_ =	shalt  }
0x6d: {  	_ =	shalt  }
0x6e: {  	_ =	shalt  }
0x6f: {  	_ =	shalt  }
0x70: {  	_ =	shalt  }
0x71: {  	_ =	shalt  }
0x72: {  	_ =	shalt  }
0x73: {  	_ =	shalt  }
0x74: {  	_ =	shalt  }
0x75: {  	_ =	shalt  }
0x76: {  	_ =	shalt  }
0x77: {  	_ =	shalt  }
0x78: {  	_ =	shalt  }
0x79: {  	_ =	shalt  }
0x7a: {  	_ =	shalt  }
0x7b: {  	_ =	shalt  }
0x7c: {  	_ =	shalt  }
0x7d: {  	_ =	shalt  }
0x7e: {  	_ =	shalt  }
0x7f: {  	_ =	shalt  }
0x80: {  	_ =	shalt  }
0x81: {  	_ =	shalt  }
0x82: {  	_ =	shalt  }
0x83: {  	_ =	shalt  }
0x84: {  	_ =	shalt  }
0x85: {  	_ =	shalt  }
0x86: {  	_ =	shalt  }
0x87: {  	_ =	shalt  }
.Lfunc_end0:
.L_simem_size_0:
called_computation_lowered:
.L_overlay_start_0:
0x88: {  	s2 =	sld [smem:$0x3FD9]  }
0x89: {  	s3 =	sld [smem:$0x3FFE];
	_ =	sdelay $0x1  }
0x8a: {  	s1 =	srdreg.scid  }
0x8b: {  	s0 =	sand.u32 $0x1, s1  }
0x8c: {  	s17 =	sshll.u32 s0, $0xA;
	s2 =	sadd.s32 s3, s2  }
0x8d: {  	s2 =	sadd.s32 s2, s17  }
0x8e: {  	[smem:$0x3FC4] =	sst s2  }
0x8f: {  	_ = 	snop  }
0x90: {  	s2 =	sld [smem:$0x3FD0];
	(tm) =	ssettm $0x1  }
0x91: {  	s18 =	sld [smem:$0x3FFB];
	_ =	sdelay $0x3  }
0x92: {  	_ =	strace s18  }
0x93: {  	s3 =	sld [smem:$0x3FFC];
	_ =	sdelay $0x3  }
0x94: {  	_ =	strace s3  }
0x95: {  	s3 =	sld [smem:$0x3FFD];
	_ =	sdelay $0x3  }
0x96: {  	_ =	strace s3  }
0x97: {  	_ =	strace $0x8FFFFFFF  }
0x98: {  	s19 =	sld [smem:$0x3FDB];
	_ =	sdelay $0x1  }
0x99: {  	s4 =	simm.s32 $_scs_section_size  }
0x9a: {  	s5 =	simm.s32 $_size__tile_overlayer_lowered;
	s6 =	simm.s32 $_tile_overlayer_lowered  }
0x9b: {  	s22 =	simm.s32 $0x1BFF;
	s21 =	sshll.u32 s6, $0x1;
	s3 =	sadd.s32 s4, s19  }
0x9c: {  	s7 =	simm.s32 $0x0;
	s20 =	sshll.u32 s5, $0x1;
	s5 =	sadd.s32 s21, s3  }
0x9d: {  	[timem:s7], [sflag:s22] =	dma.local [hbm:s5], s20  }
0x9e: {  	_ =	swait.ge [sflag:s22], s20  }
0x9f: {  	s4 =	ssub.s32 $0x0, s20;
	[sflag:s22] =	ssyncset.done $0x0  }
0xa0: {  	[sflag:s22] =	ssyncadd.s32 s4;
	_ =	sdelay $0x1  }
0xa1: {  	s23 =	simm.s32 $0x1B8B  }
0xa2: {  	_ =	swait.ge [sflag:s23], $0x1  }
0xa3: {  	[sflag:s23] =	ssyncset.done $0x0  }
0xa4: {  	s25 =	simm.s32 $0x1B8E;
	s24 =	sld [smem:$0x3FFE];
	[sflag:s23] =	ssyncadd.s32 $0xFFFFFFFF  }
0xa5: {  	s26 =	simm.s32 $execute0_lowered;
	[smem:$0x3FD2] =	sst s25  }
0xa6: {  	s5 =	sshll.u32 s26, $0x1;
	_ =	strace $0x80000046;
	[dreg:$0x1] =	wrdreg $0xFFFFFFFF  }
0xa7: {  	s28 =	simm.s32 $_size_execute0_lowered;
	s3 =	sadd.s32 s3, s5;
	[dreg:$0x0] =	wrdreg $0x0  }
0xa8: {  	s5 =	sshll.u32 s28, $0x1;
	[dreg:$0x2] =	wrdreg s3  }
0xa9: {  	[dreg:$0x3] =	wrdreg s5  }
0xaa: {  	[dreg:$0x4] =	wrdreg $0xC0  }
0xab: {  	_ =	task [dreg:s7], $0x5FFFF  }
0xac: {  	[dreg:$0x1] =	wrdreg $0xFFFFFFFF  }
0xad: {  	[dreg:$0x0] =	wrdreg $0x60  }
0xae: {  	[dreg:$0x2] =	wrdreg s24  }
0xaf: {  	[dreg:$0x3] =	wrdreg s2  }
0xb0: {  	[dreg:$0x4] =	wrdreg $0x49000  }
0xb1: {  	[dreg:$0x5] =	wrdreg $0x9  }
0xb2: {  	_ =	task.clear_ibuf [dreg:s7], $0x6FFFF;
	_ =	strace $0x90000046  }
0xb3: {  	s29 =	simm.s32 $0x9;
	_ =	strace $0x80000048  }
0xb4: {  	_ =	swait.ge [sflag:s29], $0x1  }
0xb5: {  	[sflag:s29] =	ssyncadd.s32 $0xFFFFFFFF  }
0xb6: {  	_ =	strace $0x90000048  }
0xb7: {  	_ =	sfence  }
0xb8: {  	s30 =	sld [smem:$0x0];
	_ =	sdelay $0x2  }
0xb9: {  	s31 =	sshll.u32 s1, $0xD;
	s1 =	sshrl.u32 s1, $0x2  }
0xba: {  	s3 =	sand.u32 $0x4000, s31;
	s1 =	sadd.s32 s1, s30  }
0xbb: {  	s0 =	sor.u32 s3, s0;
	s1 =	sshll.u32 s1, $0x11  }
0xbc: {  	s0 =	sor.u32 s1, s0  }
0xbd: {  	s0 =	sadd.s32 $0x8F2B, s0  }
0xbe: {  	[sflag:s0] =	ssyncadd.remote.s32 $0x1  }
0xbf: {  	_ =	sfence.sel $0xFFFF  }
0xc0: {  	[dreg:$0x0] =	wrdreg $0xFFFFFFFF;
	(pc) =	sbr.abs _section_cstart, $3  }
0xc1: {  	[dreg:$0x1] =	wrdreg $0xFFFFFFFF  }
0xc2: {  	_ =	task.clear_ibuf [dreg:s7], $0x2FFFF;
	_ =	strace $0x9FFFFFFF  }
0xc3: {  	(tm) =	ssettm $0x7FFFFFFF  }
tec
execute0_lowered:
.L_overlay_start_1:
0x0: {  	(tag) =	ssettag $0x1  }
0x1: {  	s5 =	rddreg [dreg:$0x0]  }
0x2: {  	s12 =	rddreg [dreg:$0x1];
	s0 =	stileid.u32  }
0x3: {  	s1 =	srdreg.scid;
	s4 =	smul.u32 $0x4F00, s0  }
0x4: {  	s2 =	rddreg [dreg:$0x2];
	s3 =	simm.s32 $0x0;
	s29 =	smul.u32 $0x58E00, s0  }
0x5: {  	s16 =	simm.s32 $0x1;
	s6 =	sand.u32 $0x1, s1;
	s10 =	smul.u32 $0x16380, s0  }
0x6: {  	s20 =	simm.s32 $0x0;
	s1 =	rddreg [dreg:$0x3];
	s7 =	smul.u32 $0x2780, s6  }
0x7: {  	[smem:$0x7FF] =	sst s3;
	s8 =	smul.u32 $0x2C700, s6;
	s6 =	ssub.s32 $0x2, s6  }
0x8: {  	s31 =	sshll.u32 s0, $0x6;
	_ =	strace $0x80000047;
	s30 =	sshrl.u32 s6, $0x1  }
0x9: {  	s18 =	sshrl.u32 s10, $0x3;
	s7 =	sadd.s32 s7, s4;
	s4 =	sadd.s32 $0x200, s5  }
0xa: {  	s14 =	sadd.s32 s8, s5;
	s15 =	ssub.s32 s6, s30;
	s13 =	sshrl.u32 s7, $0x3  }
0xb: {  	s7 =	sshrl.u32 s29, $0x2;
	s17 =	sadd.s32 $0x36000, s14;
	s14 =	simm.s32 $0x2  }
0xc: {  	s11 =	sadd.s32 s13, s5;
	s5 =	sadd.s32 s10, s2;
	s9 =	sadd.s32 s7, s2  }
0xd: {  	s10 =	smax.u32 s15, $0x1;
	s12 =	sadd.s32 s13, s12;
	s13 =	simm.s32 $0x100  }
0xe: {  	s15 =	simm.s32 $0x80;
	s17 =	sadd.s32 s18, s17;
	s18 =	sor.u32 $0x1C02, s31  }
0xf: {  	s6 =	sadd.s32 $0x4800, s9;
	s7 =	sadd.s32 $0x9000, s9;
	s8 =	sadd.s32 $0xD800, s9  }
0x10: {  	v0 =	vimm.f32 $0.0e+00;
	s9 =	sadd.s32 $0x12000, s9;
	s11 =	sadd.s32 $0x2C200, s11;
	s19 =	sshrl.u32 s5, $0x3  }
.LBB2_1:
0x11: {  	s21 =	simm.s32 $0x0;
	s22 =	simm.s32 $0x240  }
.LBB2_2:
0x12: {  	p0 =	sne.s32 s22, $0x11DC0;
	[tilespmem:s21+$0x180] =	vst v0  }
0x13: {  	[tilespmem:s21+$0x100] =	vst v0  }
0x14: {  	[tilespmem:s21+$0x110] =	vst v0  }
0x15: {  	[tilespmem:s21+$0x120] =	vst v0  }
.Ltmp0:
0x16: {  	[tilespmem:s21+$0x130] =	vst v0;
	(pc) =	sbr.rel @p0 .LBB2_2-.Ltmp0, $4  }
0x17: {  	[tilespmem:s21+$0x140] =	vst v0  }
0x18: {  	[tilespmem:s21+$0x150] =	vst v0  }
0x19: {  	[tilespmem:s21+$0x160] =	vst v0  }
0x1a: {  	[tilespmem:s21+$0x170] =	vst v0;
	s21 =	sshra.s32 s22, $0x2;
	s22 =	sadd.s32 $0x240, s22  }
0x1b: {  	[tilespmem:s21+$0x180] =	vst v0  }
0x1c: {  	[tilespmem:s21+$0x100] =	vst v0  }
0x1d: {  	[tilespmem:s21+$0x110] =	vst v0  }
0x1e: {  	[tilespmem:s21+$0x120] =	vst v0  }
0x1f: {  	[tilespmem:s21+$0x130] =	vst v0  }
0x20: {  	[tilespmem:s21+$0x140] =	vst v0  }
0x21: {  	[tilespmem:s21+$0x150] =	vst v0  }
0x22: {  	[tilespmem:s21+$0x160] =	vst v0  }
0x23: {  	[tilespmem:s21+$0x170] =	vst v0  }
0x24: {  	[spmem:s5] =	stream.linear.scatter [tilespmem:s13], [sflag:$0x2], $0x4800, $0x38;
	[tilespmem:$0x1AC80] =	vst v63  }
0x25: {  	_ =	swait.ge [sflag:s14], $0x4800  }
0x26: {  	[sflag:s14] =	ssyncset.done $0x0  }
0x27: {  	[sflag:s14] =	ssyncadd.s32 $0xFFFFB800  }
0x28: {  	[spmem:s6] =	stream.linear.scatter [tilespmem:s13], [sflag:$0x2], $0x4800, $0x38;
	[tilespmem:$0x1AC80] =	vst v63  }
0x29: {  	_ =	swait.ge [sflag:s14], $0x4800  }
0x2a: {  	[sflag:s14] =	ssyncset.done $0x0  }
0x2b: {  	[sflag:s14] =	ssyncadd.s32 $0xFFFFB800  }
0x2c: {  	[spmem:s7] =	stream.linear.scatter [tilespmem:s13], [sflag:$0x2], $0x4800, $0x38;
	[tilespmem:$0x1AC80] =	vst v63  }
0x2d: {  	_ =	swait.ge [sflag:s14], $0x4800  }
0x2e: {  	[sflag:s14] =	ssyncset.done $0x0  }
0x2f: {  	[sflag:s14] =	ssyncadd.s32 $0xFFFFB800  }
0x30: {  	[spmem:s8] =	stream.linear.scatter [tilespmem:s13], [sflag:$0x2], $0x4800, $0x38;
	[tilespmem:$0x1AC80] =	vst v63  }
0x31: {  	_ =	swait.ge [sflag:s14], $0x4800  }
0x32: {  	[sflag:s14] =	ssyncset.done $0x0  }
0x33: {  	[sflag:s14] =	ssyncadd.s32 $0xFFFFB800  }
0x34: {  	[spmem:s9] =	stream.linear.scatter [tilespmem:s13], [sflag:$0x2], $0x4380, $0x38;
	[tilespmem:$0x1AC80] =	vst v63  }
0x35: {  	_ =	swait.ge [sflag:s14], $0x4380  }
0x36: {  	[sflag:s14] =	ssyncset.done $0x0  }
0x37: {  	[sflag:s14] =	ssyncadd.s32 $0xFFFFBC80  }
0x38: {  	s30 =	sadd.s32 $0x0, s12;
	[bflag:$0x0] =	sbarrier.arrive $0xFFFF  }
0x39: {  	[tilespmem:s3], [sflag:$0x2] =	stream.linear.gather [hbm4b:s30+s3], $0x80, $0x38;
	[tilespmem:$0x1AC80] =	vst v63  }
0x3a: {  	_ =	swait.ge [sflag:s14], $0x80  }
0x3b: {  	[sflag:s14] =	ssyncset.done $0x0  }
0x3c: {  	s31 =	sadd.s32 $0x0, s11;
	[sflag:s14] =	ssyncadd.s32 $0xFFFFFF80  }
0x3d: {  	[tilespmem:s15], [sflag:$0x2] =	stream.linear.gather [hbm4b:s31+s3], $0x80, $0x38;
	[tilespmem:$0x1AC80] =	vst v63  }
0x3e: {  	_ =	swait.ge [sflag:s14], $0x80  }
0x3f: {  	[sflag:s14] =	ssyncset.done $0x0  }
0x40: {  	[sflag:s14] =	ssyncadd.s32 $0xFFFFFF80  }
0x41: {  	[tilespmem:s13], [sflag:$0x1] =	stream.indirect.gather [hbm4b:s4+s15], $0x90, s3, s15, $0xb8;
	[tilespmem:$0x1AC80] =	vst v63  }
0x42: {  	_ =	swait.ge [sflag:s16], $0x4800  }
0x43: {  	[sflag:s16] =	ssyncset.done $0x0  }
0x44: {  	[sflag:s16] =	ssyncadd.s32 $0xFFFFB800  }
0x45: {  	[spmem:s2] =	stream.indirect.scatter.add.f32 [tilespmem:s13], [sflag:$0x2], $0x90, s15, s15, $0xb8;
	[tilespmem:$0x1AC80] =	vst v63  }
0x46: {  	_ =	swait.ge [sflag:s14], $0x4800  }
0x47: {  	s21 =	simm.s32 $0x10;
	s22 =	simm.s32 $0x20;
	[sflag:s14] =	ssyncset.done $0x0  }
.LBB2_4:
0x48: {  	s23 =	sadd.s32 s21, s12  }
0x49: {  	[sflag:s14] =	ssyncadd.s32 $0xFFFFB800;
	s24 =	smov.u32 s22;
	s25 =	sadd.s32 $0x10, s22  }
0x4a: {  	[tilespmem:s3], [sflag:$0x2] =	stream.linear.gather [hbm4b:s23+s3], $0x80, $0x38;
	[tilespmem:$0x1AC80] =	vst v63  }
0x4b: {  	p0 =	sne.s32 s22, $0x4E0;
	_ =	swait.ge [sflag:s14], $0x80  }
0x4c: {  	[sflag:s14] =	ssyncset.done $0x0  }
0x4d: {  	s22 =	sadd.s32 s21, s11;
	s21 =	smov.u32 s24;
	[sflag:s14] =	ssyncadd.s32 $0xFFFFFF80  }
0x4e: {  	[tilespmem:s15], [sflag:$0x2] =	stream.linear.gather [hbm4b:s22+s3], $0x80, $0x38;
	[tilespmem:$0x1AC80] =	vst v63  }
0x4f: {  	_ =	swait.ge [sflag:s14], $0x80  }
0x50: {  	[sflag:s14] =	ssyncset.done $0x0  }
0x51: {  	[sflag:s14] =	ssyncadd.s32 $0xFFFFFF80  }
0x52: {  	[tilespmem:s13], [sflag:$0x1] =	stream.indirect.gather [hbm4b:s4+s15], $0x90, s3, s15, $0xb8;
	[tilespmem:$0x1AC80] =	vst v63  }
0x53: {  	_ =	swait.ge [sflag:s16], $0x4800  }
.Ltmp1:
0x54: {  	[sflag:s16] =	ssyncset.done $0x0;
	(pc) =	sbr.rel @p0 .LBB2_4-.Ltmp1, $4  }
0x55: {  	[sflag:s16] =	ssyncadd.s32 $0xFFFFB800  }
0x56: {  	[spmem:s2] =	stream.indirect.scatter.add.f32 [tilespmem:s13], [sflag:$0x2], $0x90, s15, s15, $0xb8;
	[tilespmem:$0x1AC80] =	vst v63  }
0x57: {  	_ =	swait.ge [sflag:s14], $0x4800  }
0x58: {  	s22 =	smov.u32 s25;
	[sflag:s14] =	ssyncset.done $0x0  }
0x59: {  	s22 =	sadd.s32 s21, s12;
	[sflag:s14] =	ssyncadd.s32 $0xFFFFB800  }
0x5a: {  	[tilespmem:s3], [sflag:$0x2] =	stream.linear.gather [hbm4b:s22+s3], $0x80, $0x38;
	[tilespmem:$0x1AC80] =	vst v63  }
0x5b: {  	_ =	swait.ge [sflag:s14], $0x80  }
0x5c: {  	[sflag:s14] =	ssyncset.done $0x0  }
0x5d: {  	s31 =	sadd.s32 s21, s11;
	[sflag:s14] =	ssyncadd.s32 $0xFFFFFF80  }
0x5e: {  	[tilespmem:s15], [sflag:$0x2] =	stream.linear.gather [hbm4b:s31+s3], $0x80, $0x38;
	[tilespmem:$0x1AC80] =	vst v63  }
0x5f: {  	_ =	swait.ge [sflag:s14], $0x80  }
0x60: {  	[sflag:s14] =	ssyncset.done $0x0  }
0x61: {  	[sflag:s14] =	ssyncadd.s32 $0xFFFFFF80  }
0x62: {  	[tilespmem:s13], [sflag:$0x1] =	stream.indirect.gather [hbm4b:s4+s15], $0x90, s3, s15, $0xb8;
	[tilespmem:$0x1AC80] =	vst v63  }
0x63: {  	_ =	swait.ge [sflag:s16], $0x4800  }
0x64: {  	[sflag:s16] =	ssyncset.done $0x0  }
0x65: {  	[sflag:s16] =	ssyncadd.s32 $0xFFFFB800  }
0x66: {  	[spmem:s2] =	stream.indirect.scatter.add.f32 [tilespmem:s13], [sflag:$0x2], $0x90, s15, s15, $0xb8;
	[tilespmem:$0x1AC80] =	vst v63  }
0x67: {  	_ =	swait.ge [sflag:s14], $0x4800  }
0x68: {  	s20 =	sadd.s32 $0x1, s20;
	[sflag:s14] =	ssyncset.done $0x0  }
0x69: {  	p0 =	sne.s32 s20, s10;
	[sflag:s14] =	ssyncadd.s32 $0xFFFFB800  }
.Ltmp2:
0x6a: {  	[bflag:$0x0] =	sbarrier.arrive $0xFFFF;
	(pc) =	sbr.rel @p0 .LBB2_1-.Ltmp2, $4  }
0x6b: {  	[hbm:s17], [sflag:s18] =	dma.local [spmem:s19], $0x2C70  }
0x6c: {  	_ =	swait.ge [sflag:s14], $0x2C70  }
0x6d: {  	[sflag:s14] =	ssyncset.done $0x0  }
0x6e: {  	[sflag:s14] =	ssyncadd.s32 $0xFFFFD390  }
0x6f: {  	_ =	sfence.sel $0x180000  }
0x70: {  	[bflag:$0x0] =	sbarrier.arrive $0xFFFF  }
0x71: {  	p0 =	sne.s32 s0, $0x0;
	_ =	strace $0x90000047  }
0x72: {  	s0 =	sadd.s32 @!p0 $0x100000, s1;
	[bflag:$0x2] =	sbarrier.arrive $0xFFFF  }
0x73: {  	[sflag:s0] =	ssyncadd.tile.s32 @!p0 $0x1;
	_ =	shalt  }
.Lfunc_end2:
_tile_overlayer_lowered:
.L_overlay_start_2:
0x74: {  	(tag) =	ssettag $0x2  }
0x75: {  	s0 =	rddreg [dreg:$0x0];
	s2 =	stileid.u32  }
0x76: {  	s1 =	rddreg [dreg:$0x1];
	p0 =	sne.s32 s2, $0x0  }
0x77: {  	s3 =	rddreg [dreg:$0x2];
	[bflag:$0x3] =	sbarrier.arrive $0xFFFF;
	s2 =	simm.s32 @!p0 $0x1C02  }
0x78: {  	[timem:s3], [sflag:s2] =	dma.local @!p0 [hbm:s0], s1  }
0x79: {  	s0 =	simm.s32 @!p0 $0x2  }
0x7a: {  	_ =	swait.ge @!p0 [sflag:s0], s1  }
0x7b: {  	s1 =	ssub.s32 @!p0 $0x0, s1;
	[sflag:s0] =	ssyncset.done @!p0 $0x0  }
0x7c: {  	[sflag:s0] =	ssyncadd.s32 @!p0 s1  }
0x7d: {  	[bflag:$0x3] =	sbarrier.arrive $0xFFFF  }
0x7e: {  	_ =	shalt  }

</sc_bundles>
